<compile_context>
chip_gen: v7x
topology: tpu7x:2x2x1
jax: 0.10.2.dev20260603
libtpu: 0.0.44.dev20260713+nightly
codegen_flags: <defaults>
</compile_context>

<pallas_src>
import functools
import math

import jax
import jax.numpy as jnp
from jax import lax
from jax.experimental import pallas as pl
from jax.experimental.pallas import tpu as pltpu
from jax.experimental.pallas import tpu_sc as plsc

_M = 0.5
_COS_M = math.cos(_M)
_SIN_M = math.sin(_M)
_TH = math.cos(math.pi - _M)
_MM = math.sin(math.pi - _M) * _M
_EPS = 1e-07

_ROWS = 1024
_COLS = 100000


_NC = 2
_NS = 16
_NW = _NC * _NS
_RPW = _ROWS // _NW
_L = 16


def _rsqrt16(z):
    b = lax.bitcast_convert_type(z, jnp.int32)
    y = lax.bitcast_convert_type(
        jnp.int32(0x5F3759DF) - lax.shift_right_arithmetic(b, 1), jnp.float32)
    for _ in range(3):
        y = y * (1.5 - 0.5 * z * y * y)
    return y


def _sc_phi_body(cos_hbm, lbl_hbm, phi_hbm, lbl_v, idx_v, val_v, sem):
    wid = lax.axis_index("s") * _NC + lax.axis_index("c")
    base = wid * _RPW
    pltpu.sync_copy(lbl_hbm.at[pl.ds(base, _RPW)], lbl_v)
    for j in range(_RPW // _L):
        lbl = lbl_v[pl.ds(j * _L, _L)]
        rows = (base + j * _L) + lax.iota(jnp.int32, _L)
        idx_v[pl.ds(j * _L, _L)] = (
            (lax.shift_left((lax.shift_right_logical(lbl, 3) << 3)
                            + lax.shift_right_logical(rows, 7), 10))
            + lax.shift_left(lbl & 7, 7) + (rows & 127))
    pltpu.async_copy(cos_hbm.at[idx_v], val_v, sem).wait()
    for j in range(_RPW // _L):
        x = val_v[pl.ds(j * _L, _L)]
        x = jnp.minimum(jnp.maximum(x, -1.0 + _EPS), 1.0 - _EPS)
        z = 1.0 - x * x
        sine = z * _rsqrt16(z)
        phi = x * _COS_M - sine * _SIN_M
        phi = jnp.where(x > _TH, phi, x - _MM)
        val_v[pl.ds(j * _L, _L)] = phi
    pltpu.sync_copy(val_v, phi_hbm.at[pl.ds(base, _RPW)])


@functools.cache
def _sc_phi():
    return functools.partial(
        pl.kernel,
        out_type=jax.ShapeDtypeStruct((_ROWS,), jnp.float32),
        mesh=plsc.VectorSubcoreMesh(
            core_axis_name="c", subcore_axis_name="s",
            num_cores=_NC, num_subcores=_NS),
        scratch_types=[
            pltpu.VMEM((_RPW,), jnp.int32),
            pltpu.VMEM((_RPW,), jnp.int32),
            pltpu.VMEM((_RPW,), jnp.float32),
            pltpu.SemaphoreType.DMA,
        ],
    )(_sc_phi_body)



_BCLS = 2000


def _tc_body(s_ref, x_ref, lbl_ref, phi_ref, o_ref):
    cls = pl.program_id(0) * _BCLS + lax.broadcasted_iota(
        jnp.int32, (_BCLS, _ROWS), 0)
    mask = cls == lbl_ref[...]
    o_ref[...] = jnp.where(mask, phi_ref[...], x_ref[...]) * s_ref[0]


def kernel(cosine, labels, s):
    lbl = labels.astype(jnp.int32)
    ct = cosine.T
    flat_phys = jnp.transpose(
        ct.reshape(_COLS // 8, 8, _ROWS // 128, 128), (0, 2, 1, 3)
    ).reshape(-1)
    phi = _sc_phi()(flat_phys, lbl)
    s_arr = jnp.asarray(s, jnp.float32).reshape(1)
    out_t = pl.pallas_call(
        _tc_body,
        grid=(_COLS // _BCLS,),
        in_specs=[
            pl.BlockSpec(memory_space=pltpu.SMEM),
            pl.BlockSpec((_BCLS, _ROWS), lambda i: (i, 0)),
            pl.BlockSpec((1, _ROWS), lambda i: (0, 0)),
            pl.BlockSpec((1, _ROWS), lambda i: (0, 0)),
        ],
        out_specs=pl.BlockSpec((_BCLS, _ROWS), lambda i: (i, 0)),
        out_shape=jax.ShapeDtypeStruct((_COLS, _ROWS), jnp.float32),
        compiler_params=pltpu.CompilerParams(
            dimension_semantics=("arbitrary",)),
    )(s_arr, ct, lbl.reshape(1, _ROWS), phi.reshape(1, _ROWS))
    return out_t.T

# --- scband reference (transcript-rebuilt; emitter-appended) ---
"""Pipeline reference for scband-arc-face-base-1005022347985 (READ-ONLY COPY).

The authoritative reference and input builder live on the scoring server;
editing this copy changes nothing except your own understanding.
"""

import math
import jax, jax.numpy as jnp
import numpy as np

M = 0.5
COS_M = math.cos(M)
SIN_M = math.sin(M)
TH = math.cos(math.pi - M)
MM = math.sin(math.pi - M) * M
EPS = 1e-07


def setup_inputs(seed: int = 0) -> dict:
    key = jax.random.key(seed)
    k1, k2 = jax.random.split(key)
    cosine = jax.random.normal(k1, (1024, 100000), dtype=jnp.float32)
    labels = jax.random.randint(k2, (1024,), 0, 100000, dtype=jnp.int64)
    return {"cosine": cosine, "labels": labels, "s": 64}


def reference(cosine, labels, s):
    idx = labels.astype(jnp.int32)
    # gather target-class cosine per row
    cos_target = jnp.take_along_axis(cosine, idx[:, None], axis=1)
    cos_target = jnp.clip(cos_target, -1.0 + EPS, 1.0 - EPS)
    sine_target = jnp.sqrt(1.0 - cos_target ** 2)
    phi_target = cos_target * COS_M - sine_target * SIN_M
    phi_target = jnp.where(cos_target > TH, phi_target, cos_target - MM)
    # scatter-overwrite phi into the target column of each row
    rows = jnp.arange(cosine.shape[0])
    output = cosine.at[rows, idx].set(phi_target[:, 0].astype(cosine.dtype))
    return output * s

if __name__ == "__main__":
    import jax
    _d = setup_inputs()
    print(jax.jit(kernel)(*tuple(_d.values())))

</pallas_src>

<mosaic_0001>
#map = affine_map<(d0, d1) -> (0)>
module attributes {stable_mosaic.version = 14 : i64} {
  func.func @_sc_phi_body(%arg0: i32, %arg1: i32, %arg2: memref<102400000xf32, #tpu.memory_space<hbm>>, %arg3: memref<1024xi32, #tpu.memory_space<hbm>>, %arg4: memref<1024xf32, #tpu.memory_space<hbm>>, %arg5: memref<32xi32, #tpu.memory_space<vmem>>, %arg6: memref<32xi32, #tpu.memory_space<vmem>>, %arg7: memref<32xf32, #tpu.memory_space<vmem>>, %arg8: memref<!tpu.dma_semaphore, #tpu.memory_space<semaphore_mem>>) attributes {dimension_semantics = [#tpu.dimension_semantics<core_parallel>, #tpu.dimension_semantics<subcore_parallel>], iteration_bounds = array<i64: 2, 16>, scalar_prefetch = 0 : i64, scratch_operands = 4 : i64, tpu.core_type = #tpu.core_type<sc_vector_subcore>, window_params = [{transform_indices = #map}, {transform_indices = #map}, {transform_indices = #map}]} {
    %mul3A = arith.constant 2 : i32
    %mul3A_0 = arith.muli %arg1, %mul3A : i32
    %add3A = arith.addi %mul3A_0, %arg0 : i32
    %mul3A_1 = arith.constant 32 : i32
    %mul3A_2 = arith.muli %add3A, %mul3A_1 : i32
    "tpu.region"() ({
      %run_scoped3A = tpu.sem_alloc : memref<!tpu.dma_semaphore, #tpu.memory_space<semaphore_mem>>
      %dma_start3A_198 = tpu.memref_slice %arg3[%mul3A_2] : memref<1024xi32, #tpu.memory_space<hbm>> -> memref<32xi32, #tpu.memory_space<hbm>>
      %dma_start3A_199 = tpu.memref_slice %arg3[%mul3A_2] : memref<1024xi32, #tpu.memory_space<hbm>> -> memref<32xi32, #tpu.memory_space<hbm>>
      tpu.enqueue_dma source(%dma_start3A_199 : memref<32xi32, #tpu.memory_space<hbm>>) target(%arg5 : memref<32xi32, #tpu.memory_space<vmem>>) target_semaphore(%run_scoped3A : memref<!tpu.dma_semaphore, #tpu.memory_space<semaphore_mem>>)
      %dma_wait3A_200 = tpu.memref_slice %arg3[%mul3A_2] : memref<1024xi32, #tpu.memory_space<hbm>> -> memref<32xi32, #tpu.memory_space<hbm>>
      %dma_wait3A_201 = tpu.memref_slice %arg3[%mul3A_2] : memref<1024xi32, #tpu.memory_space<hbm>> -> memref<32xi32, #tpu.memory_space<hbm>>
      tpu.wait_dma2 semaphore(%run_scoped3A : memref<!tpu.dma_semaphore, #tpu.memory_space<semaphore_mem>>) src(%dma_wait3A_201 : memref<32xi32, #tpu.memory_space<hbm>>) dst(%arg5 : memref<32xi32, #tpu.memory_space<vmem>>)
      tpu.yield
    }) : () -> ()
    %get3A = arith.constant 0 : index
    %get3A_3 = tpu.vector_load %arg5[%get3A] {strides = array<i32>} : memref<32xi32, #tpu.memory_space<vmem>>, vector<16xi32>,
    %get3A_4 = vector.shape_cast %get3A_3 : vector<16xi32> to vector<16xi32>
    %add3A_5 = arith.constant 0 : i32
    %add3A_6 = arith.addi %mul3A_2, %add3A_5 : i32
    %iota3A = tpu.iota {dimensions = array<i32: 0>} : vector<16xi32>
    %add3A_7 = vector.broadcast %add3A_6 : i32 to vector<16xi32>
    %add3A_8 = arith.addi %add3A_7, %iota3A : vector<16xi32>
    %shift_right_logical3A = arith.constant 3 : i32
    %shift_right_logical3A_9 = vector.broadcast %shift_right_logical3A : i32 to vector<16xi32>
    %shift_right_logical3A_10 = arith.shrui %get3A_4, %shift_right_logical3A_9 : vector<16xi32>
    %shift_left3A = arith.constant 3 : i32
    %shift_left3A_11 = vector.broadcast %shift_left3A : i32 to vector<16xi32>
    %shift_left3A_12 = arith.shli %shift_right_logical3A_10, %shift_left3A_11 : vector<16xi32>
    %shift_right_logical3A_13 = arith.constant 7 : i32
    %shift_right_logical3A_14 = vector.broadcast %shift_right_logical3A_13 : i32 to vector<16xi32>
    %shift_right_logical3A_15 = arith.shrui %add3A_8, %shift_right_logical3A_14 : vector<16xi32>
    %add3A_16 = arith.addi %shift_left3A_12, %shift_right_logical3A_15 : vector<16xi32>
    %shift_left3A_17 = arith.constant 10 : i32
    %shift_left3A_18 = vector.broadcast %shift_left3A_17 : i32 to vector<16xi32>
    %shift_left3A_19 = arith.shli %add3A_16, %shift_left3A_18 : vector<16xi32>
    %and3A = arith.constant 7 : i32
    %and3A_20 = vector.broadcast %and3A : i32 to vector<16xi32>
    %and3A_21 = arith.andi %get3A_4, %and3A_20 : vector<16xi32>
    %shift_left3A_22 = arith.constant 7 : i32
    %shift_left3A_23 = vector.broadcast %shift_left3A_22 : i32 to vector<16xi32>
    %shift_left3A_24 = arith.shli %and3A_21, %shift_left3A_23 : vector<16xi32>
    %add3A_25 = arith.addi %shift_left3A_19, %shift_left3A_24 : vector<16xi32>
    %and3A_26 = arith.constant 127 : i32
    %and3A_27 = vector.broadcast %and3A_26 : i32 to vector<16xi32>
    %and3A_28 = arith.andi %add3A_8, %and3A_27 : vector<16xi32>
    %add3A_29 = arith.addi %add3A_25, %and3A_28 : vector<16xi32>
    %swap3A = arith.constant 0 : index
    %swap3A_30 = tpu.vector_load %arg6[%swap3A] {strides = array<i32>} : memref<32xi32, #tpu.memory_space<vmem>>, vector<16xi32>,
    %swap3A_31 = vector.shape_cast %swap3A_30 : vector<16xi32> to vector<16xi32>
    %swap3A_32 = vector.shape_cast %add3A_29 : vector<16xi32> to vector<16xi32>
    tpu.vector_store %arg6[%swap3A], %swap3A_32 {strides = array<i32>} : memref<32xi32, #tpu.memory_space<vmem>>, vector<16xi32>,
    %get3A_33 = arith.constant 16 : index
    %get3A_34 = tpu.vector_load %arg5[%get3A_33] {strides = array<i32>} : memref<32xi32, #tpu.memory_space<vmem>>, vector<16xi32>,
    %get3A_35 = vector.shape_cast %get3A_34 : vector<16xi32> to vector<16xi32>
    %add3A_36 = arith.constant 16 : i32
    %add3A_37 = arith.addi %mul3A_2, %add3A_36 : i32
    %iota3A_38 = tpu.iota {dimensions = array<i32: 0>} : vector<16xi32>
    %add3A_39 = vector.broadcast %add3A_37 : i32 to vector<16xi32>
    %add3A_40 = arith.addi %add3A_39, %iota3A_38 : vector<16xi32>
    %shift_right_logical3A_41 = arith.constant 3 : i32
    %shift_right_logical3A_42 = vector.broadcast %shift_right_logical3A_41 : i32 to vector<16xi32>
    %shift_right_logical3A_43 = arith.shrui %get3A_35, %shift_right_logical3A_42 : vector<16xi32>
    %shift_left3A_44 = arith.constant 3 : i32
    %shift_left3A_45 = vector.broadcast %shift_left3A_44 : i32 to vector<16xi32>
    %shift_left3A_46 = arith.shli %shift_right_logical3A_43, %shift_left3A_45 : vector<16xi32>
    %shift_right_logical3A_47 = arith.constant 7 : i32
    %shift_right_logical3A_48 = vector.broadcast %shift_right_logical3A_47 : i32 to vector<16xi32>
    %shift_right_logical3A_49 = arith.shrui %add3A_40, %shift_right_logical3A_48 : vector<16xi32>
    %add3A_50 = arith.addi %shift_left3A_46, %shift_right_logical3A_49 : vector<16xi32>
    %shift_left3A_51 = arith.constant 10 : i32
    %shift_left3A_52 = vector.broadcast %shift_left3A_51 : i32 to vector<16xi32>
    %shift_left3A_53 = arith.shli %add3A_50, %shift_left3A_52 : vector<16xi32>
    %and3A_54 = arith.constant 7 : i32
    %and3A_55 = vector.broadcast %and3A_54 : i32 to vector<16xi32>
    %and3A_56 = arith.andi %get3A_35, %and3A_55 : vector<16xi32>
    %shift_left3A_57 = arith.constant 7 : i32
    %shift_left3A_58 = vector.broadcast %shift_left3A_57 : i32 to vector<16xi32>
    %shift_left3A_59 = arith.shli %and3A_56, %shift_left3A_58 : vector<16xi32>
    %add3A_60 = arith.addi %shift_left3A_53, %shift_left3A_59 : vector<16xi32>
    %and3A_61 = arith.constant 127 : i32
    %and3A_62 = vector.broadcast %and3A_61 : i32 to vector<16xi32>
    %and3A_63 = arith.andi %add3A_40, %and3A_62 : vector<16xi32>
    %add3A_64 = arith.addi %add3A_60, %and3A_63 : vector<16xi32>
    %swap3A_65 = arith.constant 16 : index
    %swap3A_66 = tpu.vector_load %arg6[%swap3A_65] {strides = array<i32>} : memref<32xi32, #tpu.memory_space<vmem>>, vector<16xi32>,
    %swap3A_67 = vector.shape_cast %swap3A_66 : vector<16xi32> to vector<16xi32>
    %swap3A_68 = vector.shape_cast %add3A_64 : vector<16xi32> to vector<16xi32>
    tpu.vector_store %arg6[%swap3A_65], %swap3A_68 {strides = array<i32>} : memref<32xi32, #tpu.memory_space<vmem>>, vector<16xi32>,
    %dma_start3A = arith.constant 0 : i32
    %dma_start3A_69 = tpu.memref_slice %arg2[%dma_start3A] : memref<102400000xf32, #tpu.memory_space<hbm>> -> memref<102400000xf32, #tpu.memory_space<hbm>>
    tpu.enqueue_indirect_dma source(%dma_start3A_69 : memref<102400000xf32, #tpu.memory_space<hbm>>) target(%arg7 : memref<32xf32, #tpu.memory_space<vmem>>) offsets(%arg6 : memref<32xi32, #tpu.memory_space<vmem>>) semaphore(%arg8 : memref<!tpu.dma_semaphore, #tpu.memory_space<semaphore_mem>>)
    %dma_wait3A = arith.constant 0 : i32
    %dma_wait3A_70 = tpu.memref_slice %arg2[%dma_wait3A] : memref<102400000xf32, #tpu.memory_space<hbm>> -> memref<102400000xf32, #tpu.memory_space<hbm>>
    tpu.wait_indirect_dma semaphore(%arg8 : memref<!tpu.dma_semaphore, #tpu.memory_space<semaphore_mem>>) src(%dma_wait3A_70 : memref<102400000xf32, #tpu.memory_space<hbm>>) dst(%arg7 : memref<32xf32, #tpu.memory_space<vmem>>)
    %get3A_71 = arith.constant 0 : index
    %get3A_72 = tpu.vector_load %arg7[%get3A_71] {strides = array<i32>} : memref<32xf32, #tpu.memory_space<vmem>>, vector<16xf32>,
    %get3A_73 = vector.shape_cast %get3A_72 : vector<16xf32> to vector<16xf32>
    %max3A = arith.constant -0.99999988 : f32
    %max3A_74 = vector.broadcast %max3A : f32 to vector<16xf32>
    %max3A_75 = arith.maximumf %get3A_73, %max3A_74 : vector<16xf32>
    %min3A = arith.constant 0.99999988 : f32
    %min3A_76 = vector.broadcast %min3A : f32 to vector<16xf32>
    %min3A_77 = arith.minimumf %max3A_75, %min3A_76 : vector<16xf32>
    %mul3A_78 = arith.mulf %min3A_77, %min3A_77 : vector<16xf32>
    %sub3A = arith.constant 1.000000e+00 : f32
    %sub3A_79 = vector.broadcast %sub3A : f32 to vector<16xf32>
    %sub3A_80 = arith.subf %sub3A_79, %mul3A_78 : vector<16xf32>
    %bitcast_convert_type3A = tpu.bitcast %sub3A_80 : vector<16xf32> -> vector<16xi32>
    %shift_right_arithmetic3A = arith.constant 1 : i32
    %shift_right_arithmetic3A_81 = vector.broadcast %shift_right_arithmetic3A : i32 to vector<16xi32>
    %shift_right_arithmetic3A_82 = arith.shrsi %bitcast_convert_type3A, %shift_right_arithmetic3A_81 : vector<16xi32>
    %sub3A_83 = arith.constant 1597463007 : i32
    %sub3A_84 = vector.broadcast %sub3A_83 : i32 to vector<16xi32>
    %sub3A_85 = arith.subi %sub3A_84, %shift_right_arithmetic3A_82 : vector<16xi32>
    %bitcast_convert_type3A_86 = tpu.bitcast %sub3A_85 : vector<16xi32> -> vector<16xf32>
    %mul3A_87 = arith.constant 5.000000e-01 : f32
    %mul3A_88 = vector.broadcast %mul3A_87 : f32 to vector<16xf32>
    %mul3A_89 = arith.mulf %mul3A_88, %sub3A_80 : vector<16xf32>
    %mul3A_90 = arith.mulf %mul3A_89, %bitcast_convert_type3A_86 : vector<16xf32>
    %mul3A_91 = arith.mulf %mul3A_90, %bitcast_convert_type3A_86 : vector<16xf32>
    %sub3A_92 = arith.constant 1.500000e+00 : f32
    %sub3A_93 = vector.broadcast %sub3A_92 : f32 to vector<16xf32>
    %sub3A_94 = arith.subf %sub3A_93, %mul3A_91 : vector<16xf32>
    %mul3A_95 = arith.mulf %bitcast_convert_type3A_86, %sub3A_94 : vector<16xf32>
    %mul3A_96 = arith.constant 5.000000e-01 : f32
    %mul3A_97 = vector.broadcast %mul3A_96 : f32 to vector<16xf32>
    %mul3A_98 = arith.mulf %mul3A_97, %sub3A_80 : vector<16xf32>
    %mul3A_99 = arith.mulf %mul3A_98, %mul3A_95 : vector<16xf32>
    %mul3A_100 = arith.mulf %mul3A_99, %mul3A_95 : vector<16xf32>
    %sub3A_101 = arith.constant 1.500000e+00 : f32
    %sub3A_102 = vector.broadcast %sub3A_101 : f32 to vector<16xf32>
    %sub3A_103 = arith.subf %sub3A_102, %mul3A_100 : vector<16xf32>
    %mul3A_104 = arith.mulf %mul3A_95, %sub3A_103 : vector<16xf32>
    %mul3A_105 = arith.constant 5.000000e-01 : f32
    %mul3A_106 = vector.broadcast %mul3A_105 : f32 to vector<16xf32>
    %mul3A_107 = arith.mulf %mul3A_106, %sub3A_80 : vector<16xf32>
    %mul3A_108 = arith.mulf %mul3A_107, %mul3A_104 : vector<16xf32>
    %mul3A_109 = arith.mulf %mul3A_108, %mul3A_104 : vector<16xf32>
    %sub3A_110 = arith.constant 1.500000e+00 : f32
    %sub3A_111 = vector.broadcast %sub3A_110 : f32 to vector<16xf32>
    %sub3A_112 = arith.subf %sub3A_111, %mul3A_109 : vector<16xf32>
    %mul3A_113 = arith.mulf %mul3A_104, %sub3A_112 : vector<16xf32>
    %mul3A_114 = arith.mulf %sub3A_80, %mul3A_113 : vector<16xf32>
    %mul3A_115 = arith.constant 0.87758255 : f32
    %mul3A_116 = vector.broadcast %mul3A_115 : f32 to vector<16xf32>
    %mul3A_117 = arith.mulf %min3A_77, %mul3A_116 : vector<16xf32>
    %mul3A_118 = arith.constant 0.47942555 : f32
    %mul3A_119 = vector.broadcast %mul3A_118 : f32 to vector<16xf32>
    %mul3A_120 = arith.mulf %mul3A_114, %mul3A_119 : vector<16xf32>
    %sub3A_121 = arith.subf %mul3A_117, %mul3A_120 : vector<16xf32>
    %gt3A = arith.constant -0.87758255 : f32
    %gt3A_122 = vector.broadcast %gt3A : f32 to vector<16xf32>
    %gt3A_123 = arith.cmpf ogt, %min3A_77, %gt3A_122 : vector<16xf32>
    %sub3A_124 = arith.constant 0.239712775 : f32
    %sub3A_125 = vector.broadcast %sub3A_124 : f32 to vector<16xf32>
    %sub3A_126 = arith.subf %min3A_77, %sub3A_125 : vector<16xf32>
    %select_n3A = arith.select %gt3A_123, %sub3A_121, %sub3A_126 : vector<16xi1>, vector<16xf32>
    %swap3A_127 = arith.constant 0 : index
    %swap3A_128 = tpu.vector_load %arg7[%swap3A_127] {strides = array<i32>} : memref<32xf32, #tpu.memory_space<vmem>>, vector<16xf32>,
    %swap3A_129 = vector.shape_cast %swap3A_128 : vector<16xf32> to vector<16xf32>
    %swap3A_130 = vector.shape_cast %select_n3A : vector<16xf32> to vector<16xf32>
    tpu.vector_store %arg7[%swap3A_127], %swap3A_130 {strides = array<i32>} : memref<32xf32, #tpu.memory_space<vmem>>, vector<16xf32>,
    %get3A_131 = arith.constant 16 : index
    %get3A_132 = tpu.vector_load %arg7[%get3A_131] {strides = array<i32>} : memref<32xf32, #tpu.memory_space<vmem>>, vector<16xf32>,
    %get3A_133 = vector.shape_cast %get3A_132 : vector<16xf32> to vector<16xf32>
    %max3A_134 = arith.constant -0.99999988 : f32
    %max3A_135 = vector.broadcast %max3A_134 : f32 to vector<16xf32>
    %max3A_136 = arith.maximumf %get3A_133, %max3A_135 : vector<16xf32>
    %min3A_137 = arith.constant 0.99999988 : f32
    %min3A_138 = vector.broadcast %min3A_137 : f32 to vector<16xf32>
    %min3A_139 = arith.minimumf %max3A_136, %min3A_138 : vector<16xf32>
    %mul3A_140 = arith.mulf %min3A_139, %min3A_139 : vector<16xf32>
    %sub3A_141 = arith.constant 1.000000e+00 : f32
    %sub3A_142 = vector.broadcast %sub3A_141 : f32 to vector<16xf32>
    %sub3A_143 = arith.subf %sub3A_142, %mul3A_140 : vector<16xf32>
    %bitcast_convert_type3A_144 = tpu.bitcast %sub3A_143 : vector<16xf32> -> vector<16xi32>
    %shift_right_arithmetic3A_145 = arith.constant 1 : i32
    %shift_right_arithmetic3A_146 = vector.broadcast %shift_right_arithmetic3A_145 : i32 to vector<16xi32>
    %shift_right_arithmetic3A_147 = arith.shrsi %bitcast_convert_type3A_144, %shift_right_arithmetic3A_146 : vector<16xi32>
    %sub3A_148 = arith.constant 1597463007 : i32
    %sub3A_149 = vector.broadcast %sub3A_148 : i32 to vector<16xi32>
    %sub3A_150 = arith.subi %sub3A_149, %shift_right_arithmetic3A_147 : vector<16xi32>
    %bitcast_convert_type3A_151 = tpu.bitcast %sub3A_150 : vector<16xi32> -> vector<16xf32>
    %mul3A_152 = arith.constant 5.000000e-01 : f32
    %mul3A_153 = vector.broadcast %mul3A_152 : f32 to vector<16xf32>
    %mul3A_154 = arith.mulf %mul3A_153, %sub3A_143 : vector<16xf32>
    %mul3A_155 = arith.mulf %mul3A_154, %bitcast_convert_type3A_151 : vector<16xf32>
    %mul3A_156 = arith.mulf %mul3A_155, %bitcast_convert_type3A_151 : vector<16xf32>
    %sub3A_157 = arith.constant 1.500000e+00 : f32
    %sub3A_158 = vector.broadcast %sub3A_157 : f32 to vector<16xf32>
    %sub3A_159 = arith.subf %sub3A_158, %mul3A_156 : vector<16xf32>
    %mul3A_160 = arith.mulf %bitcast_convert_type3A_151, %sub3A_159 : vector<16xf32>
    %mul3A_161 = arith.constant 5.000000e-01 : f32
    %mul3A_162 = vector.broadcast %mul3A_161 : f32 to vector<16xf32>
    %mul3A_163 = arith.mulf %mul3A_162, %sub3A_143 : vector<16xf32>
    %mul3A_164 = arith.mulf %mul3A_163, %mul3A_160 : vector<16xf32>
    %mul3A_165 = arith.mulf %mul3A_164, %mul3A_160 : vector<16xf32>
    %sub3A_166 = arith.constant 1.500000e+00 : f32
    %sub3A_167 = vector.broadcast %sub3A_166 : f32 to vector<16xf32>
    %sub3A_168 = arith.subf %sub3A_167, %mul3A_165 : vector<16xf32>
    %mul3A_169 = arith.mulf %mul3A_160, %sub3A_168 : vector<16xf32>
    %mul3A_170 = arith.constant 5.000000e-01 : f32
    %mul3A_171 = vector.broadcast %mul3A_170 : f32 to vector<16xf32>
    %mul3A_172 = arith.mulf %mul3A_171, %sub3A_143 : vector<16xf32>
    %mul3A_173 = arith.mulf %mul3A_172, %mul3A_169 : vector<16xf32>
    %mul3A_174 = arith.mulf %mul3A_173, %mul3A_169 : vector<16xf32>
    %sub3A_175 = arith.constant 1.500000e+00 : f32
    %sub3A_176 = vector.broadcast %sub3A_175 : f32 to vector<16xf32>
    %sub3A_177 = arith.subf %sub3A_176, %mul3A_174 : vector<16xf32>
    %mul3A_178 = arith.mulf %mul3A_169, %sub3A_177 : vector<16xf32>
    %mul3A_179 = arith.mulf %sub3A_143, %mul3A_178 : vector<16xf32>
    %mul3A_180 = arith.constant 0.87758255 : f32
    %mul3A_181 = vector.broadcast %mul3A_180 : f32 to vector<16xf32>
    %mul3A_182 = arith.mulf %min3A_139, %mul3A_181 : vector<16xf32>
    %mul3A_183 = arith.constant 0.47942555 : f32
    %mul3A_184 = vector.broadcast %mul3A_183 : f32 to vector<16xf32>
    %mul3A_185 = arith.mulf %mul3A_179, %mul3A_184 : vector<16xf32>
    %sub3A_186 = arith.subf %mul3A_182, %mul3A_185 : vector<16xf32>
    %gt3A_187 = arith.constant -0.87758255 : f32
    %gt3A_188 = vector.broadcast %gt3A_187 : f32 to vector<16xf32>
    %gt3A_189 = arith.cmpf ogt, %min3A_139, %gt3A_188 : vector<16xf32>
    %sub3A_190 = arith.constant 0.239712775 : f32
    %sub3A_191 = vector.broadcast %sub3A_190 : f32 to vector<16xf32>
    %sub3A_192 = arith.subf %min3A_139, %sub3A_191 : vector<16xf32>
    %select_n3A_193 = arith.select %gt3A_189, %sub3A_186, %sub3A_192 : vector<16xi1>, vector<16xf32>
    %swap3A_194 = arith.constant 16 : index
    %swap3A_195 = tpu.vector_load %arg7[%swap3A_194] {strides = array<i32>} : memref<32xf32, #tpu.memory_space<vmem>>, vector<16xf32>,
    %swap3A_196 = vector.shape_cast %swap3A_195 : vector<16xf32> to vector<16xf32>
    %swap3A_197 = vector.shape_cast %select_n3A_193 : vector<16xf32> to vector<16xf32>
    tpu.vector_store %arg7[%swap3A_194], %swap3A_197 {strides = array<i32>} : memref<32xf32, #tpu.memory_space<vmem>>, vector<16xf32>,
    "tpu.region"() ({
      %run_scoped3A = tpu.sem_alloc : memref<!tpu.dma_semaphore, #tpu.memory_space<semaphore_mem>>
      %dma_start3A_198 = tpu.memref_slice %arg4[%mul3A_2] : memref<1024xf32, #tpu.memory_space<hbm>> -> memref<32xf32, #tpu.memory_space<hbm>>
      %dma_start3A_199 = tpu.memref_slice %arg4[%mul3A_2] : memref<1024xf32, #tpu.memory_space<hbm>> -> memref<32xf32, #tpu.memory_space<hbm>>
      tpu.enqueue_dma source(%arg7 : memref<32xf32, #tpu.memory_space<vmem>>) target(%dma_start3A_199 : memref<32xf32, #tpu.memory_space<hbm>>) target_semaphore(%run_scoped3A : memref<!tpu.dma_semaphore, #tpu.memory_space<semaphore_mem>>)
      %dma_wait3A_200 = tpu.memref_slice %arg4[%mul3A_2] : memref<1024xf32, #tpu.memory_space<hbm>> -> memref<32xf32, #tpu.memory_space<hbm>>
      %dma_wait3A_201 = tpu.memref_slice %arg4[%mul3A_2] : memref<1024xf32, #tpu.memory_space<hbm>> -> memref<32xf32, #tpu.memory_space<hbm>>
      tpu.wait_dma2 semaphore(%run_scoped3A : memref<!tpu.dma_semaphore, #tpu.memory_space<semaphore_mem>>) src(%arg7 : memref<32xf32, #tpu.memory_space<vmem>>) dst(%dma_wait3A_201 : memref<32xf32, #tpu.memory_space<hbm>>)
      tpu.yield
    }) : () -> ()
    return
  }
}

module attributes {stable_mosaic.version = 14 : i64} {
  func.func @_tc_body(%arg0: i32, %arg1: memref<1xf32, #tpu.memory_space<smem>>, %arg2: memref<2000x1024xf32, #tpu.memory_space<vmem>>, %arg3: memref<1x1024xi32, #tpu.memory_space<vmem>>, %arg4: memref<1x1024xf32, #tpu.memory_space<vmem>>, %arg5: memref<2000x1024xf32, #tpu.memory_space<vmem>>) attributes {dimension_semantics = [#tpu.dimension_semantics<arbitrary>], iteration_bounds = array<i64: 50>, scalar_prefetch = 0 : i64, scratch_operands = 0 : i64, tpu.core_type = #tpu.core_type<tc>, window_params = [{transform_indices = @transform_0, window_bounds = array<i64: 1>}, {transform_indices = @transform_1, window_bounds = array<i64: 2000, 1024>}, {pipeline_mode = #tpu.pipeline_mode<synchronous>, transform_indices = @transform_2, window_bounds = array<i64: 1, 1024>}, {pipeline_mode = #tpu.pipeline_mode<synchronous>, transform_indices = @transform_3, window_bounds = array<i64: 1, 1024>}, {transform_indices = @transform_4, window_bounds = array<i64: 2000, 1024>}]} {
    %mul3A = arith.constant 2000 : i32
    %mul3A_0 = arith.muli %arg0, %mul3A : i32
    %iota3A = tpu.iota {dimensions = array<i32: 0>} : vector<2000x1024xi32>
    %add3A = vector.broadcast %mul3A_0 : i32 to vector<2000x1024xi32>
    %add3A_1 = arith.addi %add3A, %iota3A : vector<2000x1024xi32>
    %get3A = arith.constant 0 : index
    %get3A_2 = arith.constant 0 : index
    %get3A_3 = vector.load %arg3[%get3A, %get3A_2] : memref<1x1024xi32, #tpu.memory_space<vmem>>, vector<1x1024xi32>
    %eq3A = vector.broadcast %get3A_3 : vector<1x1024xi32> to vector<2000x1024xi32>
    %eq3A_4 = arith.cmpi eq, %add3A_1, %eq3A : vector<2000x1024xi32>
    %get3A_5 = arith.constant 0 : index
    %get3A_6 = arith.constant 0 : index
    %get3A_7 = vector.load %arg4[%get3A_5, %get3A_6] : memref<1x1024xf32, #tpu.memory_space<vmem>>, vector<1x1024xf32>
    %get3A_8 = arith.constant 0 : index
    %get3A_9 = arith.constant 0 : index
    %get3A_10 = vector.load %arg2[%get3A_8, %get3A_9] : memref<2000x1024xf32, #tpu.memory_space<vmem>>, vector<2000x1024xf32>
    %broadcast_in_dim3A = vector.shape_cast %get3A_7 : vector<1x1024xf32> to vector<1x1024xf32>
    %broadcast_in_dim3A_11 = vector.broadcast %broadcast_in_dim3A : vector<1x1024xf32> to vector<2000x1024xf32>
    %select_n3A = arith.select %eq3A_4, %broadcast_in_dim3A_11, %get3A_10 : vector<2000x1024xi1>, vector<2000x1024xf32>
    %get3A_12 = arith.constant 0 : index
    %get3A_13 = memref.load %arg1[%get3A_12] : memref<1xf32, #tpu.memory_space<smem>>
    %mul3A_14 = vector.broadcast %get3A_13 : f32 to vector<2000x1024xf32>
    %mul3A_15 = arith.mulf %select_n3A, %mul3A_14 : vector<2000x1024xf32>
    %swap3A = arith.constant 0 : index
    %swap3A_16 = arith.constant 0 : index
    %swap3A_17 = vector.load %arg5[%swap3A, %swap3A_16] : memref<2000x1024xf32, #tpu.memory_space<vmem>>, vector<2000x1024xf32>
    tpu.vector_store %arg5[%swap3A, %swap3A_16], %mul3A_15 {strides = array<i32>} : memref<2000x1024xf32, #tpu.memory_space<vmem>>, vector<2000x1024xf32>,
    return
  }
  func.func @transform_0(%arg0: i32) -> i32 {
    %c0_i32 = arith.constant 0 : i32
    %c0_i32_0 = arith.constant 0 : i32
    return %c0_i32 : i32
  }
  func.func @transform_1(%arg0: i32) -> (i32, i32) {
    %c0_i32 = arith.constant 0 : i32
    %c0_i32_0 = arith.constant 0 : i32
    return %arg0, %c0_i32 : i32, i32
  }
  func.func @transform_2(%arg0: i32) -> (i32, i32) {
    %c0_i32 = arith.constant 0 : i32
    %c0_i32_0 = arith.constant 0 : i32
    %c0_i32_1 = arith.constant 0 : i32
    return %c0_i32, %c0_i32_0 : i32, i32
  }
  func.func @transform_3(%arg0: i32) -> (i32, i32) {
    %c0_i32 = arith.constant 0 : i32
    %c0_i32_0 = arith.constant 0 : i32
    %c0_i32_1 = arith.constant 0 : i32
    return %c0_i32, %c0_i32_0 : i32, i32
  }
  func.func @transform_4(%arg0: i32) -> (i32, i32) {
    %c0_i32 = arith.constant 0 : i32
    %c0_i32_0 = arith.constant 0 : i32
    return %arg0, %c0_i32 : i32, i32
  }
}

</mosaic_0001>

<sc_bundles>
// kernel: kernel.4.cloned.1.call-start
scs
__scs_entry_jumppad:
0x0: {  	(pc) =	sbr.rel $0x88, $3  }
0x1: {  	(tag) =	ssettag $0x0;
	lr =	simm.s32 $0x1  }
0x2: {  	[smem:$0x3F9E] =	sst lr;
	_ =	strace $0xD0000000  }
0x3: {  	_ = 	snop  }
0x4: {  	_ = 	snop  }
0x5: {  	_ = 	snop  }
0x6: {  	_ = 	snop  }
0x7: {  	_ = 	snop  }
__scs_overlays_trampoline_lowered:
0x8: {  	[smem:$0x3FAD] =	sst s0  }
0x9: {  	[smem:$0x3FAE] =	sst s1  }
0xa: {  	[smem:$0x3FAF] =	sst s2  }
0xb: {  	[smem:$0x3FB0] =	sst s3  }
0xc: {  	[smem:$0x3FB1] =	sst s4  }
0xd: {  	[smem:$0x3FB2] =	sst s5  }
0xe: {  	[smem:$0x3FB3] =	sst s6  }
0xf: {  	[smem:$0x3FB4] =	sst s7  }
0x10: {  	[smem:$0x3FB5] =	sst s8  }
0x11: {  	[smem:$0x3FB6] =	sst s9;
	s0 =	simm.s32 @!p0 $0x0  }
0x12: {  	s1 =	sld [smem:$0x3F9C];
	s0 =	simm.s32 @p0 $0x1  }
0x13: {  	[smem:$0x3FB7] =	sst s0;
	s0 =	simm.s32 @!p1 $0x0  }
0x14: {  	s2 =	sld [smem:$0x3F9B];
	s0 =	simm.s32 @p1 $0x1  }
0x15: {  	[smem:$0x3FB8] =	sst s0;
	s0 =	simm.s32 @!p2 $0x0  }
0x16: {  	s3 =	sld [smem:$0x3FDB];
	s0 =	simm.s32 @p2 $0x1  }
0x17: {  	s4 =	simm.s32 $0x1BF5;
	[smem:$0x3FBA] =	sst s0  }
0x18: {  	s0 =	sld [smem:$0x3F9D];
	_ =	swait.ge [sflag:s4], $0x0  }
0x19: {  	s7 =	sld [smem:$0x3F9E]  }
0x1a: {  	s8 =	sadd.s32 $0xFFFFE003, lr  }
0x1b: {  	s9 =	sadd.s32 $0xFFFFFEF7, lr;
	s5 =	simm.s32 $0xFFFFFFFF;
	p2 =	slt.u32 s8, $0xFFFFF086  }
0x1c: {  	p1 =	slt.u32 s9, $0xF7A;
	s5 =	simm.s32 @!p2 $0x0  }
0x1d: {  	s5 =	simm.s32 @p1 $0x1;
	p0 =	seq.s32 s7, s2  }
0x1e: {  	s7 =	smul.u32 @!p0 $0xF7A, s2;
	p2 =	seq.s32 @!p0 s5, $0x0  }
0x1f: {  	s9 =	smul.u32 $0xF7A, s1;
	s8 =	simm.s32 @!p0 $0x1BF5;
	p2 =	por !p2, p0  }
0x20: {  	[sflag:s8] =	ssyncset.s32 @!p0 $0xFFFFF086;
	s6 =	sadd.s32 @!p0 s3, s7;
	s7 =	simm.s32 @!p0 $0x108  }
0x21: {  	s3 =	sadd.s32 s3, s9;
	s6 =	sadd.s32 @!p0 $0x88, s6;
	s7 =	simm.s32 @p2 $0x1082  }
0x22: {  	[simem:s7], [sflag:s8] =	dma.local @!p0 [hbm:s6], $0xF7A  }
0x23: {  	s9 =	sor.u32 $0xD0000000, s2;
	s6 =	simm.s32 $0x108;
	_ =	swait.ge @!p0 [sflag:s8], $0x0  }
0x24: {  	s3 =	sadd.s32 $0x88, s3;
	s6 =	simm.s32 @!p1 $0x1082;
	[sflag:s4] =	ssyncset.s32 $0xFFFFF086  }
0x25: {  	[simem:s6], [sflag:s4] =	dma.local [hbm:s3], $0xF7A  }
0x26: {  	[smem:$0x3F9E] =	sst s1;
	(tag) =	ssettag s2;
	_ =	strace s9  }
0x27: {  	s1 =	sld [smem:$0x3FAE]  }
0x28: {  	s2 =	sld [smem:$0x3FAF]  }
0x29: {  	s4 =	sld [smem:$0x3FB1]  }
0x2a: {  	p0 =	seq.s32 s5, $0x0;
	s5 =	sld [smem:$0x3FB2]  }
0x2b: {  	s6 =	sld [smem:$0x3FB3]  }
0x2c: {  	s7 =	sld [smem:$0x3FB4]  }
0x2d: {  	s3 =	simm.s32 $0x108;
	s8 =	sld [smem:$0x3FB5]  }
0x2e: {  	s3 =	simm.s32 @!p0 $0x1082;
	s9 =	sld [smem:$0x3FB6]  }
0x2f: {  	lr =	sadd.s32 s0, s3;
	s0 =	sld [smem:$0x3FAD]  }
0x30: {  	s3 =	sld [smem:$0x3FB0]  }
0x31: {  	[smem:$0x3FB9] =	sst s10  }
0x32: {  	s10 =	sld [smem:$0x3FB7];
	_ =	sdelay $0x3  }
0x33: {  	p0 =	seq.s32 s10, $0x1;
	s10 =	sld [smem:$0x3FB9];
	_ =	sdelay $0x3  }
0x34: {  	[smem:$0x3FB9] =	sst s10  }
0x35: {  	s10 =	sld [smem:$0x3FB8];
	_ =	sdelay $0x3  }
0x36: {  	p1 =	seq.s32 s10, $0x1;
	s10 =	sld [smem:$0x3FB9];
	_ =	sdelay $0x3  }
0x37: {  	[smem:$0x3FB9] =	sst s10  }
0x38: {  	s10 =	sld [smem:$0x3FBA]  }
0x39: {  	_ = 	snop;
	(pc) =	sbr.ind lr, $3  }
0x3a: {  	_ = 	snop  }
0x3b: {  	_ = 	snop  }
0x3c: {  	p2 =	seq.s32 s10, $0x1;
	s10 =	sld [smem:$0x3FB9]  }
0x3d: {  	_ =	shalt  }
0x3e: {  	_ =	shalt  }
0x3f: {  	_ =	shalt  }
0x40: {  	_ =	shalt  }
0x41: {  	_ =	shalt  }
0x42: {  	_ =	shalt  }
0x43: {  	_ =	shalt  }
0x44: {  	_ =	shalt  }
0x45: {  	_ =	shalt  }
0x46: {  	_ =	shalt  }
0x47: {  	_ =	shalt  }
0x48: {  	_ =	shalt  }
0x49: {  	_ =	shalt  }
0x4a: {  	_ =	shalt  }
0x4b: {  	_ =	shalt  }
0x4c: {  	_ =	shalt  }
0x4d: {  	_ =	shalt  }
0x4e: {  	_ =	shalt  }
0x4f: {  	_ =	shalt  }
0x50: {  	_ =	shalt  }
0x51: {  	_ =	shalt  }
0x52: {  	_ =	shalt  }
0x53: {  	_ =	shalt  }
0x54: {  	_ =	shalt  }
0x55: {  	_ =	shalt  }
0x56: {  	_ =	shalt  }
0x57: {  	_ =	shalt  }
0x58: {  	_ =	shalt  }
0x59: {  	_ =	shalt  }
0x5a: {  	_ =	shalt  }
0x5b: {  	_ =	shalt  }
0x5c: {  	_ =	shalt  }
0x5d: {  	_ =	shalt  }
0x5e: {  	_ =	shalt  }
0x5f: {  	_ =	shalt  }
0x60: {  	_ =	shalt  }
0x61: {  	_ =	shalt  }
0x62: {  	_ =	shalt  }
0x63: {  	_ =	shalt  }
0x64: {  	_ =	shalt  }
0x65: {  	_ =	shalt  }
0x66: {  	_ =	shalt  }
0x67: {  	_ =	shalt  }
0x68: {  	_ =	shalt  }
0x69: {  	_ =	shalt  }
0x6a: {  	_ =	shalt  }
0x6b: {  	_ =	shalt  }
0x6c: {  	_ =	shalt  }
0x6d: {  	_ =	shalt  }
0x6e: {  	_ =	shalt  }
0x6f: {  	_ =	shalt  }
0x70: {  	_ =	shalt  }
0x71: {  	_ =	shalt  }
0x72: {  	_ =	shalt  }
0x73: {  	_ =	shalt  }
0x74: {  	_ =	shalt  }
0x75: {  	_ =	shalt  }
0x76: {  	_ =	shalt  }
0x77: {  	_ =	shalt  }
0x78: {  	_ =	shalt  }
0x79: {  	_ =	shalt  }
0x7a: {  	_ =	shalt  }
0x7b: {  	_ =	shalt  }
0x7c: {  	_ =	shalt  }
0x7d: {  	_ =	shalt  }
0x7e: {  	_ =	shalt  }
0x7f: {  	_ =	shalt  }
0x80: {  	_ =	shalt  }
0x81: {  	_ =	shalt  }
0x82: {  	_ =	shalt  }
0x83: {  	_ =	shalt  }
0x84: {  	_ =	shalt  }
0x85: {  	_ =	shalt  }
0x86: {  	_ =	shalt  }
0x87: {  	_ =	shalt  }
.Lfunc_end0:
.L_simem_size_0:
called_computation_lowered:
.L_overlay_start_0:
0x88: {  	s2 =	sld [smem:$0x3FD9]  }
0x89: {  	s3 =	sld [smem:$0x3FFE];
	_ =	sdelay $0x1  }
0x8a: {  	s1 =	srdreg.scid  }
0x8b: {  	s0 =	sand.u32 $0x1, s1  }
0x8c: {  	s18 =	sshll.u32 s0, $0xA;
	s2 =	sadd.s32 s3, s2  }
0x8d: {  	s2 =	sadd.s32 s2, s18  }
0x8e: {  	[smem:$0x3FC5] =	sst s2  }
0x8f: {  	_ = 	snop  }
0x90: {  	s2 =	sld [smem:$0x3FC9]  }
0x91: {  	s19 =	sld [smem:$0x3FC8]  }
0x92: {  	s4 =	sld [smem:$0x3FD0];
	(tm) =	ssettm $0x1  }
0x93: {  	s5 =	sld [smem:$0x3FFB];
	_ =	sdelay $0x3  }
0x94: {  	_ =	strace s5  }
0x95: {  	s5 =	sld [smem:$0x3FFC];
	_ =	sdelay $0x3  }
0x96: {  	_ =	strace s5  }
0x97: {  	s5 =	sld [smem:$0x3FFD];
	_ =	sdelay $0x3  }
0x98: {  	_ =	strace s5  }
0x99: {  	_ =	strace $0x8FFFFFFF  }
0x9a: {  	s20 =	sld [smem:$0x3FDB];
	_ =	sdelay $0x1  }
0x9b: {  	s6 =	simm.s32 $_scs_section_size  }
0x9c: {  	s7 =	simm.s32 $_size__tile_overlayer_lowered;
	s8 =	simm.s32 $_tile_overlayer_lowered  }
0x9d: {  	s23 =	simm.s32 $0x1BFF;
	s22 =	sshll.u32 s8, $0x1;
	s5 =	sadd.s32 s6, s20  }
0x9e: {  	s9 =	simm.s32 $0x0;
	s21 =	sshll.u32 s7, $0x1;
	s7 =	sadd.s32 s22, s5  }
0x9f: {  	[timem:s9], [sflag:s23] =	dma.local [hbm:s7], s21  }
0xa0: {  	_ =	swait.ge [sflag:s23], s21  }
0xa1: {  	s6 =	ssub.s32 $0x0, s21;
	[sflag:s23] =	ssyncset.done $0x0  }
0xa2: {  	[sflag:s23] =	ssyncadd.s32 s6;
	_ =	sdelay $0x1  }
0xa3: {  	s24 =	simm.s32 $0x1B8B  }
0xa4: {  	_ =	swait.ge [sflag:s24], $0x1  }
0xa5: {  	[sflag:s24] =	ssyncset.done $0x0  }
0xa6: {  	s25 =	simm.s32 $0x1B8E;
	[sflag:s24] =	ssyncadd.s32 $0xFFFFFFFF  }
0xa7: {  	s26 =	simm.s32 $execute0_lowered;
	[smem:$0x3FD2] =	sst s25  }
0xa8: {  	s6 =	sshll.u32 s26, $0x1;
	_ =	strace $0x80000046;
	[dreg:$0x1] =	wrdreg $0xFFFFFFFF  }
0xa9: {  	s28 =	simm.s32 $_size_execute0_lowered;
	s5 =	sadd.s32 s5, s6;
	[dreg:$0x0] =	wrdreg $0x0  }
0xaa: {  	s6 =	sshll.u32 s28, $0x1;
	[dreg:$0x2] =	wrdreg s5  }
0xab: {  	[dreg:$0x3] =	wrdreg s6  }
0xac: {  	[dreg:$0x4] =	wrdreg $0xC0  }
0xad: {  	_ =	task [dreg:s9], $0x5FFFF  }
0xae: {  	[dreg:$0x1] =	wrdreg $0xFFFFFFFF  }
0xaf: {  	[dreg:$0x0] =	wrdreg $0x60  }
0xb0: {  	[dreg:$0x2] =	wrdreg s2  }
0xb1: {  	[dreg:$0x3] =	wrdreg s19  }
0xb2: {  	[dreg:$0x4] =	wrdreg s4  }
0xb3: {  	[dreg:$0x5] =	wrdreg $0x9  }
0xb4: {  	_ =	task.clear_ibuf [dreg:s9], $0x6FFFF;
	_ =	strace $0x90000046  }
0xb5: {  	s29 =	simm.s32 $0x9;
	_ =	strace $0x80000048  }
0xb6: {  	_ =	swait.ge [sflag:s29], $0x1  }
0xb7: {  	[sflag:s29] =	ssyncadd.s32 $0xFFFFFFFF  }
0xb8: {  	_ =	strace $0x90000048  }
0xb9: {  	_ =	sfence  }
0xba: {  	s30 =	sld [smem:$0x0];
	_ =	sdelay $0x2  }
0xbb: {  	s31 =	sshll.u32 s1, $0xD;
	s1 =	sshrl.u32 s1, $0x2  }
0xbc: {  	s3 =	sand.u32 $0x4000, s31;
	s1 =	sadd.s32 s1, s30  }
0xbd: {  	s0 =	sor.u32 s3, s0;
	s1 =	sshll.u32 s1, $0x11  }
0xbe: {  	s0 =	sor.u32 s1, s0  }
0xbf: {  	s0 =	sadd.s32 $0x8F2B, s0  }
0xc0: {  	[sflag:s0] =	ssyncadd.remote.s32 $0x1  }
0xc1: {  	_ =	sfence.sel $0xFFFF  }
0xc2: {  	[dreg:$0x0] =	wrdreg $0xFFFFFFFF;
	(pc) =	sbr.abs _section_cstart, $3  }
0xc3: {  	[dreg:$0x1] =	wrdreg $0xFFFFFFFF  }
0xc4: {  	_ =	task.clear_ibuf [dreg:s9], $0x2FFFF;
	_ =	strace $0x9FFFFFFF  }
0xc5: {  	(tm) =	ssettm $0x7FFFFFFF  }
tec
execute0_lowered:
.L_overlay_start_1:
0x0: {  	(tag) =	ssettag $0x1  }
0x1: {  	s2 =	rddreg [dreg:$0x0];
	s1 =	srdreg.scid  }
0x2: {  	s4 =	rddreg [dreg:$0x1];
	s0 =	stileid.u32;
	s12 =	sand.u32 $0x1, s1  }
0x3: {  	s10 =	rddreg [dreg:$0x2];
	s5 =	sshll.u32 s0, $0x6;
	s6 =	sshll.u32 s12, $0x5  }
0x4: {  	s3 =	simm.s32 $0x0;
	s1 =	rddreg [dreg:$0x3];
	s6 =	sor.u32 s6, s5  }
0x5: {  	[smem:$0x7FF] =	sst s3;
	s11 =	sshrl.u32 s6, $0x3  }
0x6: {  	_ =	strace $0x80000047;
	s5 =	sadd.s32 s4, s11;
	s4 =	simm.s32 $0x2  }
0x7: {  	[tilespmem:s3], [sflag:$0x2] =	stream.linear.gather [hbm4b:s5+s3], $0x20, $0x38;
	[tilespmem:$0x180] =	vst v63  }
0x8: {  	_ =	swait.ge [sflag:s4], $0x20  }
0x9: {  	[sflag:s4] =	ssyncset.done $0x0  }
0xa: {  	[sflag:s4] =	ssyncadd.s32 $0xFFFFFFE0  }
0xb: {  	v3 =	vld [tilespmem:$0x0]  }
0xc: {  	v4 =	vld [tilespmem:$0x10]  }
0xd: {  	v2 =	vlaneseq.u32;
	v0 =	vmov s6  }
0xe: {  	v1 =	vor.u32 s6, v2;
	s6 =	sor.u32 $0x10, s6;
	v0 =	vshrl.u32 v0, $0x7  }
0xf: {  	v1 =	vand.u32 $0x6F, v1;
	v5 =	vmov s6;
	v6 =	vor.u32 s6, v2  }
0x10: {  	v2 =	vshrl.u32 v5, $0x7;
	v5 =	vand.u32 $0x3FFFF8, v3;
	v3 =	vshll.u32 v3, $0x7  }
0x11: {  	v7 =	vand.u32 $0x3FFFF8, v4;
	v4 =	vshll.u32 v4, $0x7;
	v5 =	vor.u32 v0, v5  }
0x12: {  	v3 =	vand.u32 $0x380, v3;
	v7 =	vor.u32 v2, v7;
	v5 =	vshll.u32 v5, $0xA  }
0x13: {  	v4 =	vand.u32 $0x380, v4;
	v7 =	vshll.u32 v7, $0xA;
	v5 =	vor.u32 v3, v5  }
0x14: {  	v3 =	vand.u32 $0x7F, v6;
	v4 =	vor.u32 v4, v7;
	v5 =	vor.u32 v1, v5  }
0x15: {  	s7 =	simm.s32 $0x80;
	v4 =	vor.u32 v3, v4;
	[tilespmem:$0x80] =	vst v5  }
0x16: {  	s8 =	simm.s32 $0x100;
	s9 =	simm.s32 $0x1;
	s6 =	simm.s32 $0x20;
	[tilespmem:$0x90] =	vst v4  }
0x17: {  	[tilespmem:s8], [sflag:$0x1] =	stream.indirect.gather [hbm4b:s2+s6], $0x1, s7, s6, $0xb8;
	[tilespmem:$0x180] =	vst v63  }
0x18: {  	_ =	swait.ge [sflag:s9], $0x20  }
0x19: {  	[sflag:s9] =	ssyncset.done $0x0  }
0x1a: {  	[sflag:s9] =	ssyncadd.s32 $0xFFFFFFE0  }
0x1b: {  	v4 =	vld [tilespmem:$0x100]  }
0x1c: {  	v5 =	vld [tilespmem:$0x110];
	_ =	sdelay $0x3  }
0x1d: {  	v4 =	vmax.f32 v4, $-9.999998800e-01  }
0x1e: {  	v5 =	vmax.f32 v5, $-9.999998800e-01;
	v4 =	vmin.f32 v4, $9.999998800e-01  }
0x1f: {  	v5 =	vmin.f32 v5, $9.999998800e-01;
	v57 =	vmul.f32 v4, v4  }
0x20: {  	v58 =	vmul.f32 v5, v5  }
0x21: {  	v6 =	vsub.f32 $1.000000000e+00, v57  }
0x22: {  	v7 =	vsub.f32 $1.000000000e+00, v58  }
0x23: {  	v8 =	vshra.s32 v6, $0x1;
	v9 =	vmul.f32 $5.000000000e-01, v6  }
0x24: {  	v10 =	vshra.s32 v7, $0x1;
	v11 =	vmul.f32 $5.000000000e-01, v7;
	v8 =	vsub.s32 $0x5F3759DF, v8  }
0x25: {  	v10 =	vsub.s32 $0x5F3759DF, v10;
	v12 =	vmul.f32 v8, v9  }
0x26: {  	v13 =	vmul.f32 v10, v11  }
0x27: {  	v12 =	vmul.f32 v8, v12  }
0x28: {  	v13 =	vmul.f32 v10, v13  }
0x29: {  	v12 =	vsub.f32 $1.500000000e+00, v12  }
0x2a: {  	v13 =	vsub.f32 $1.500000000e+00, v13  }
0x2b: {  	v8 =	vmul.f32 v8, v12  }
0x2c: {  	v10 =	vmul.f32 v10, v13  }
0x2d: {  	v12 =	vmul.f32 v8, v9  }
0x2e: {  	v13 =	vmul.f32 v10, v11  }
0x2f: {  	v12 =	vmul.f32 v12, v8  }
0x30: {  	v13 =	vmul.f32 v13, v10  }
0x31: {  	v12 =	vsub.f32 $1.500000000e+00, v12  }
0x32: {  	v13 =	vsub.f32 $1.500000000e+00, v13  }
0x33: {  	v8 =	vmul.f32 v12, v8  }
0x34: {  	v10 =	vmul.f32 v13, v10  }
0x35: {  	v9 =	vmul.f32 v8, v9  }
0x36: {  	v11 =	vmul.f32 v10, v11  }
0x37: {  	v9 =	vmul.f32 v9, v8  }
0x38: {  	v11 =	vmul.f32 v11, v10  }
0x39: {  	v9 =	vsub.f32 $1.500000000e+00, v9  }
0x3a: {  	v11 =	vsub.f32 $1.500000000e+00, v11  }
0x3b: {  	v8 =	vmul.f32 v9, v8  }
0x3c: {  	v59 =	vmul.f32 v11, v10  }
0x3d: {  	s12 =	ssub.s32 $0x2, s12;
	v6 =	vmul.f32 v8, v6  }
0x3e: {  	s13 =	sshrl.u32 s12, $0x1;
	v7 =	vmul.f32 v59, v7  }
0x3f: {  	s12 =	ssub.s32 s12, s13;
	v60 =	vmul.f32 $8.775825500e-01, v4;
	v6 =	vmul.f32 $4.794255500e-01, v6  }
0x40: {  	s31 =	smax.u32 s12, $0x1;
	v61 =	vmul.f32 $8.775825500e-01, v5;
	v7 =	vmul.f32 $4.794255500e-01, v7  }
0x41: {  	p0 =	sne.s32 s31, $0x1;
	v62 =	vadd.f32 $-2.397127750e-01, v4;
	v6 =	vsub.f32 v60, v6  }
.Ltmp0:
0x42: {  	v63 =	vadd.f32 $-2.397127750e-01, v5;
	vm0 =	vgt.f32 v4, $-8.775825500e-01;
	v4 =	vsub.f32 v61, v7;
	(pc) =	sbr.rel @!p0 .LBB2_2-.Ltmp0, $4  }
0x43: {  	vm1 =	vgt.f32 v5, $-8.775825500e-01;
	v5 =	vsel vm0, v6, v62  }
0x44: {  	v4 =	vsel vm1, v4, v63;
	[tilespmem:$0x100] =	vst v5  }
0x45: {  	s10 =	sadd.s32 s10, s11;
	s11 =	sadd.s32 $0xFFFFFFFF, s31;
	[tilespmem:$0x110] =	vst v4  }
0x46: {  	[hbm4b:s10+s3] =	stream.linear.scatter [tilespmem:s8], [sflag:$0x2], $0x20, $0x38;
	[tilespmem:$0x180] =	vst v63  }
.LBB2_1:
0x47: {  	p0 =	sne.s32 s11, $0x1;
	s11 =	sadd.s32 $0xFFFFFFFF, s11;
	_ =	swait.ge [sflag:s4], $0x20  }
0x48: {  	[sflag:s4] =	ssyncset.done $0x0  }
0x49: {  	[sflag:s4] =	ssyncadd.s32 $0xFFFFFFE0  }
0x4a: {  	[tilespmem:s3], [sflag:$0x2] =	stream.linear.gather [hbm4b:s5+s3], $0x20, $0x38;
	[tilespmem:$0x180] =	vst v63  }
0x4b: {  	_ =	swait.ge [sflag:s4], $0x20  }
0x4c: {  	[sflag:s4] =	ssyncset.done $0x0  }
0x4d: {  	[sflag:s4] =	ssyncadd.s32 $0xFFFFFFE0  }
0x4e: {  	v4 =	vld [tilespmem:$0x0]  }
0x4f: {  	v5 =	vld [tilespmem:$0x10];
	_ =	sdelay $0x3  }
0x50: {  	v6 =	vand.u32 $0x3FFFF8, v4;
	v4 =	vshll.u32 v4, $0x7  }
0x51: {  	v6 =	vor.u32 v0, v6;
	v7 =	vand.u32 $0x3FFFF8, v5;
	v5 =	vshll.u32 v5, $0x7  }
0x52: {  	v4 =	vand.u32 $0x380, v4;
	v6 =	vshll.u32 v6, $0xA;
	v7 =	vor.u32 v2, v7  }
0x53: {  	v5 =	vand.u32 $0x380, v5;
	v4 =	vor.u32 v4, v6;
	v6 =	vshll.u32 v7, $0xA  }
0x54: {  	v4 =	vor.u32 v1, v4;
	v5 =	vor.u32 v5, v6  }
0x55: {  	[tilespmem:$0x80] =	vst v4;
	v4 =	vor.u32 v3, v5  }
0x56: {  	[tilespmem:$0x90] =	vst v4  }
0x57: {  	[tilespmem:s8], [sflag:$0x1] =	stream.indirect.gather [hbm4b:s2+s6], $0x1, s7, s6, $0xb8;
	[tilespmem:$0x180] =	vst v63  }
0x58: {  	_ =	swait.ge [sflag:s9], $0x20  }
0x59: {  	[sflag:s9] =	ssyncset.done $0x0  }
0x5a: {  	[sflag:s9] =	ssyncadd.s32 $0xFFFFFFE0  }
0x5b: {  	v4 =	vld [tilespmem:$0x100]  }
0x5c: {  	v5 =	vld [tilespmem:$0x110];
	_ =	sdelay $0x3  }
0x5d: {  	v4 =	vmax.f32 v4, $-9.999998800e-01  }
0x5e: {  	v4 =	vmin.f32 v4, $9.999998800e-01;
	v5 =	vmax.f32 v5, $-9.999998800e-01  }
0x5f: {  	v6 =	vmul.f32 v4, v4;
	v5 =	vmin.f32 v5, $9.999998800e-01  }
0x60: {  	v7 =	vmul.f32 v5, v5  }
0x61: {  	v6 =	vsub.f32 $1.000000000e+00, v6  }
0x62: {  	v7 =	vsub.f32 $1.000000000e+00, v7  }
0x63: {  	v8 =	vshra.s32 v6, $0x1;
	v9 =	vmul.f32 $5.000000000e-01, v6  }
0x64: {  	v8 =	vsub.s32 $0x5F3759DF, v8;
	v10 =	vshra.s32 v7, $0x1;
	v11 =	vmul.f32 $5.000000000e-01, v7  }
0x65: {  	v12 =	vmul.f32 v8, v9;
	v10 =	vsub.s32 $0x5F3759DF, v10  }
0x66: {  	v13 =	vmul.f32 v10, v11  }
0x67: {  	v12 =	vmul.f32 v8, v12  }
0x68: {  	v13 =	vmul.f32 v10, v13  }
0x69: {  	v12 =	vsub.f32 $1.500000000e+00, v12  }
0x6a: {  	v13 =	vsub.f32 $1.500000000e+00, v13  }
0x6b: {  	v8 =	vmul.f32 v8, v12  }
0x6c: {  	v10 =	vmul.f32 v10, v13  }
0x6d: {  	v12 =	vmul.f32 v8, v9  }
0x6e: {  	v13 =	vmul.f32 v10, v11  }
0x6f: {  	v12 =	vmul.f32 v12, v8  }
0x70: {  	v13 =	vmul.f32 v13, v10  }
0x71: {  	v12 =	vsub.f32 $1.500000000e+00, v12  }
0x72: {  	v13 =	vsub.f32 $1.500000000e+00, v13  }
0x73: {  	v8 =	vmul.f32 v12, v8  }
0x74: {  	v10 =	vmul.f32 v13, v10  }
0x75: {  	v9 =	vmul.f32 v8, v9  }
0x76: {  	v11 =	vmul.f32 v10, v11  }
0x77: {  	v9 =	vmul.f32 v9, v8  }
0x78: {  	v11 =	vmul.f32 v11, v10  }
0x79: {  	v9 =	vsub.f32 $1.500000000e+00, v9  }
0x7a: {  	v11 =	vsub.f32 $1.500000000e+00, v11  }
0x7b: {  	v8 =	vmul.f32 v9, v8  }
0x7c: {  	v9 =	vmul.f32 v11, v10  }
0x7d: {  	v6 =	vmul.f32 v8, v6;
	v8 =	vmul.f32 $8.775825500e-01, v4  }
0x7e: {  	v7 =	vmul.f32 v9, v7;
	v9 =	vmul.f32 $8.775825500e-01, v5  }
0x7f: {  	v6 =	vmul.f32 $4.794255500e-01, v6  }
0x80: {  	v10 =	vadd.f32 $-2.397127750e-01, v4;
	v11 =	vadd.f32 $-2.397127750e-01, v5;
	v7 =	vmul.f32 $4.794255500e-01, v7  }
0x81: {  	vm0 =	vgt.f32 v4, $-8.775825500e-01;
	vm1 =	vgt.f32 v5, $-8.775825500e-01;
	v6 =	vsub.f32 v8, v6  }
.Ltmp1:
0x82: {  	v4 =	vsub.f32 v9, v7;
	(pc) =	sbr.rel @p0 .LBB2_1-.Ltmp1, $4  }
0x83: {  	v5 =	vsel vm0, v6, v10  }
0x84: {  	[tilespmem:$0x100] =	vst v5;
	v4 =	vsel vm1, v4, v11  }
0x85: {  	[tilespmem:$0x110] =	vst v4  }
0x86: {  	[hbm4b:s10+s3] =	stream.linear.scatter [tilespmem:s8], [sflag:$0x2], $0x20, $0x38;
	[tilespmem:$0x180] =	vst v63  }
.LBB2_2:
0x87: {  	_ =	swait.ge [sflag:s4], $0x20  }
0x88: {  	[sflag:s4] =	ssyncset.done $0x0  }
0x89: {  	[sflag:s4] =	ssyncadd.s32 $0xFFFFFFE0  }
0x8a: {  	_ =	sfence.sel $0x180000  }
0x8b: {  	[bflag:$0x0] =	sbarrier.arrive $0xFFFF  }
0x8c: {  	p0 =	sne.s32 s0, $0x0;
	_ =	strace $0x90000047  }
0x8d: {  	s0 =	sadd.s32 @!p0 $0x100000, s1;
	[bflag:$0x2] =	sbarrier.arrive $0xFFFF  }
0x8e: {  	[sflag:s0] =	ssyncadd.tile.s32 @!p0 $0x1;
	_ =	shalt  }
.Lfunc_end2:
_tile_overlayer_lowered:
.L_overlay_start_2:
0x8f: {  	(tag) =	ssettag $0x2  }
0x90: {  	s0 =	rddreg [dreg:$0x0];
	s2 =	stileid.u32  }
0x91: {  	s1 =	rddreg [dreg:$0x1];
	p0 =	sne.s32 s2, $0x0  }
0x92: {  	s3 =	rddreg [dreg:$0x2];
	[bflag:$0x3] =	sbarrier.arrive $0xFFFF;
	s2 =	simm.s32 @!p0 $0x1C02  }
0x93: {  	[timem:s3], [sflag:s2] =	dma.local @!p0 [hbm:s0], s1  }
0x94: {  	s0 =	simm.s32 @!p0 $0x2  }
0x95: {  	_ =	swait.ge @!p0 [sflag:s0], s1  }
0x96: {  	s1 =	ssub.s32 @!p0 $0x0, s1;
	[sflag:s0] =	ssyncset.done @!p0 $0x0  }
0x97: {  	[sflag:s0] =	ssyncadd.s32 @!p0 s1  }
0x98: {  	[bflag:$0x3] =	sbarrier.arrive $0xFFFF  }
0x99: {  	_ =	shalt  }

</sc_bundles>
